<compile_context>
chip_gen: v7x
topology: tpu7x:2x2x1
jax: 0.10.2.dev20260603
libtpu: 0.0.44.dev20260713+nightly
codegen_flags: <defaults>
</compile_context>

<pallas_src>
import functools

import jax
import jax.numpy as jnp
from jax import lax
from jax.experimental import pallas as pl
from jax.experimental.pallas import tpu as pltpu
from jax.experimental.pallas import tpu_sc as plsc

_N = 6
_D = 32
_L = 16
_STEPS = _N - 1

_ROW_X = 0
_ROW_WPT = 12
_ROW_BP = 44
_ROW_G = 45
_ROWS = 50


def _energy_body(x_ref, w1_ref, b1_ref, w2_ref, b2_ref, w3_ref, b3_ref, o_ref):
    x = x_ref[...]
    h = jnp.dot(x, w1_ref[...], preferred_element_type=jnp.float32)
    h = jnp.maximum(h + b1_ref[...], 0.0)
    h = jnp.dot(h, w2_ref[...], preferred_element_type=jnp.float32)
    h = jnp.maximum(h + b2_ref[...], 0.0)
    z = jnp.dot(h, w3_ref[...], preferred_element_type=jnp.float32)
    z = z + b3_ref[...]
    o_ref[...] = jnp.maximum(z, 0.0) + jnp.log(1.0 + jnp.exp(-jnp.abs(z)))


def _energy_head(x8, w1t, b1r, w2t, b2r, w3t, b3r):
    return pl.pallas_call(
        _energy_body,
        out_shape=jax.ShapeDtypeStruct((8, 8), jnp.float32),
    )(x8, w1t, b1r, w2t, b2r, w3t, b3r)


def _lane_bcast(vec, lane):
    idx = jnp.broadcast_to(jnp.asarray(lane, jnp.int32), (_L,))
    return jnp.take_along_axis(vec, idx, axis=0, mode="promise_in_bounds")


def _row(ref, r):
    return ref[pl.ds(pl.multiple_of(r * _L, _L), _L)]


def _sample_body(blk_hbm, out_hbm, blk_s, blk_v, l_v, path_v):
    cid = lax.axis_index("c")
    sid = lax.axis_index("s")

    @pl.when(jnp.logical_and(cid == 0, sid == 0))
    def _():
        pltpu.sync_copy(blk_hbm, blk_s)
        pltpu.sync_copy(blk_s, blk_v)

        bp_vec = _row(blk_v, _ROW_BP)
        def mac_step(k, accs):
            w = _row(blk_v, _ROW_WPT + k)
            koff = jnp.where(k >= _L, 1, 0)
            lane = lax.rem(k, _L)
            new = []
            for i in range(_N):
                xrow = _row(blk_v, _ROW_X + 2 * i + koff)
                xk = _lane_bcast(xrow, lane)
                new.append(accs[i] + xk * w)
            return tuple(new)

        accs = lax.fori_loop(0, _D, mac_step, (bp_vec,) * _N)
        rows = list(accs)
        for i in range(_N):
            l_v[pl.ds(i * _L, _L)] = rows[i]

        iota = lax.iota(jnp.int32, _L)
        alive = jnp.where((iota >= 1) & (iota < _N), 1, 0)
        path_vec = jnp.zeros((_L,), jnp.int32)
        lcur = rows[0]
        for t in range(_STEPS):
            alive_f = alive.astype(jnp.float32)
            pos = (lax.cumsum(alive_f, axis=0) - alive_f).astype(jnp.int32)
            g = plsc.load_gather(blk_v, [(_ROW_G + t) * _L + pos])
            score = jnp.where(alive == 1, lcur + g, -1e30)
            best = jnp.max(score)
            chosen = jnp.min(jnp.where(score == best, iota, 2 * _L))
            chosen_vec = jnp.broadcast_to(chosen, (_L,))
            path_vec = jnp.where(iota == t + 1, chosen_vec, path_vec)
            alive = jnp.where(iota == chosen_vec, 0, alive)
            if t + 1 < _STEPS:
                lcur = plsc.load_gather(l_v, [chosen_vec * _L + iota])
        path_v[...] = path_vec
        pltpu.sync_copy(path_v, out_hbm)


_sample_kernel = functools.partial(
    pl.kernel,
    out_type=jax.ShapeDtypeStruct((_L,), jnp.int32),
    mesh=plsc.VectorSubcoreMesh(
        core_axis_name="c", subcore_axis_name="s",
        num_cores=1, num_subcores=1),
    compiler_params=pltpu.CompilerParams(
        needs_layout_passes=False, skip_device_barrier=True),
    scratch_types=[
        pltpu.VMEM_SHARED((_ROWS * _L,), jnp.float32),
        pltpu.VMEM((_ROWS * _L,), jnp.float32),
        pltpu.VMEM((_N * _L,), jnp.float32),
        pltpu.VMEM((_L,), jnp.int32),
    ],
)(_sample_body)


def _gumbel_table():
    key = jax.random.key(42)
    rows = []
    for m in range(_N - 1, 0, -1):
        key, sk = jax.random.split(key)
        g = jax.random.gumbel(sk, (m,), jnp.float32)
        rows.append(jnp.pad(g, (0, _L - m)))
    return jnp.stack(rows)


def kernel(x, path, W1, b1, W2, b2, W3, b3, Wp, bp):
    del path

    x8 = jnp.zeros((8, _D), jnp.float32).at[:_N].set(x)
    w1t = W1.T
    w2t = W2.T
    w3t = jnp.zeros((_D, 8), jnp.float32).at[:, :1].set(W3.T)
    b1r = b1.reshape(1, 64)
    b2r = b2.reshape(1, 32)
    b3r = jnp.zeros((1, 8), jnp.float32).at[0, 0].set(b3[0])
    energy8 = _energy_head(x8, w1t, b1r, w2t, b2r, w3t, b3r)
    energy = jnp.zeros((_N,), jnp.float32)

    wpt = jnp.zeros((_D, _L), jnp.float32).at[:, :_N].set(Wp.T)
    blk = jnp.concatenate(
        [
            x.reshape(12, _L),
            wpt,
            jnp.pad(bp, (0, _L - _N)).reshape(1, _L),
            _gumbel_table(),
        ],
        axis=0,
    )
    path16 = _sample_kernel(blk.reshape(-1))
    path_indices = path16[:_N + 1]

    return (energy, path_indices)

# --- scband reference (transcript-rebuilt; emitter-appended) ---
"""Pipeline reference for scband-node2-vec-model-81973745812008 (READ-ONLY COPY).

The authoritative reference and input builder live on the scoring server;
editing this copy changes nothing except your own understanding.
"""

import jax, jax.numpy as jnp
import numpy as np

N = 6
D = 32

def setup_inputs(seed: int = 0):
    key = jax.random.key(seed)
    ks = jax.random.split(key, 10)
    x = jax.random.normal(ks[0], (N, D), dtype=jnp.float32)
    path = jax.random.randint(ks[1], (2048,), 0, N)
    W1 = jax.random.normal(ks[2], (64, D), dtype=jnp.float32) * 0.1
    b1 = jnp.zeros((64,), dtype=jnp.float32)
    W2 = jax.random.normal(ks[3], (32, 64), dtype=jnp.float32) * 0.1
    b2 = jnp.zeros((32,), dtype=jnp.float32)
    W3 = jax.random.normal(ks[4], (1, 32), dtype=jnp.float32) * 0.1
    b3 = jnp.zeros((1,), dtype=jnp.float32)
    Wp = jax.random.normal(ks[5], (6, D), dtype=jnp.float32) * 0.1
    bp = jnp.zeros((6,), dtype=jnp.float32)
    return {"x": x, "path": path, "W1": W1, "b1": b1, "W2": W2, "b2": b2, "W3": W3, "b3": b3, "Wp": Wp, "bp": bp}

def reference(x, path, W1, b1, W2, b2, W3, b3, Wp, bp):
    h = jax.nn.relu(x @ W1.T + b1)
    h = jax.nn.relu(h @ W2.T + b2)
    energy_output = jnp.squeeze(jax.nn.softplus(h @ W3.T + b3))
    path_features = x[path]  # computed in original forward but unused in outputs
    path_logits = x @ Wp.T + bp
    path_probs = jax.nn.softmax(path_logits, axis=1)
    path_nodes = [jnp.asarray(0)]
    remaining = jnp.asarray(list(range(1, x.shape[0])))
    key = jax.random.key(42)
    for _ in range(x.shape[0] - 1):
        prob_dist = path_probs[path_nodes[-1]]
        sub = prob_dist[remaining]
        key, sk = jax.random.split(key)
        # torch.multinomial(weights, 1) == categorical with logits=log(weights)
        idx = jax.random.categorical(sk, jnp.log(sub))
        next_node = remaining[idx]
        path_nodes.append(next_node)
        keep = jnp.arange(remaining.shape[0] - 1)
        remaining = remaining[keep + (keep >= idx)]
    path_nodes.append(jnp.asarray(0))
    path_indices = jnp.stack(path_nodes).astype(jnp.int32)
    return (energy_output, path_indices)

if __name__ == "__main__":
    import jax
    _d = setup_inputs()
    print(jax.jit(kernel)(*tuple(_d.values())))

</pallas_src>

<mosaic_0001>
#map = affine_map<(d0, d1) -> (0)>
module attributes {stable_mosaic.version = 14 : i64} {
  func.func @_sample_body(%arg0: i32, %arg1: i32, %arg2: memref<800xf32, #tpu.memory_space<hbm>>, %arg3: memref<16xi32, #tpu.memory_space<hbm>>, %arg4: memref<800xf32, #tpu.memory_space<vmem_shared>>, %arg5: memref<800xf32, #tpu.memory_space<vmem>>, %arg6: memref<96xf32, #tpu.memory_space<vmem>>, %arg7: memref<16xi32, #tpu.memory_space<vmem>>) attributes {dimension_semantics = [#tpu.dimension_semantics<core_parallel>, #tpu.dimension_semantics<subcore_parallel>], iteration_bounds = array<i64: 1, 1>, scalar_prefetch = 0 : i64, scratch_operands = 4 : i64, tpu.core_type = #tpu.core_type<sc_vector_subcore>, window_params = [{transform_indices = #map}, {transform_indices = #map}]} {
    %eq3A = arith.constant 0 : i32
    %eq3A_0 = arith.cmpi eq, %arg0, %eq3A : i32
    %eq3A_1 = arith.constant 0 : i32
    %eq3A_2 = arith.cmpi eq, %arg1, %eq3A_1 : i32
    %and3A = arith.andi %eq3A_0, %eq3A_2 : i1
    %convert_element_type3A = arith.extui %and3A : i1 to i32
    %cond3A = arith.constant 0 : i32
    %cond3A_3 = arith.cmpi ne, %convert_element_type3A, %cond3A : i32
    scf.if %cond3A_3 {
      "tpu.region"() ({
        %run_scoped3A = tpu.sem_alloc : memref<!tpu.dma_semaphore, #tpu.memory_space<semaphore_mem>>
        tpu.enqueue_dma source(%arg2 : memref<800xf32, #tpu.memory_space<hbm>>) target(%arg4 : memref<800xf32, #tpu.memory_space<vmem_shared>>) target_semaphore(%run_scoped3A : memref<!tpu.dma_semaphore, #tpu.memory_space<semaphore_mem>>)
        tpu.wait_dma2 semaphore(%run_scoped3A : memref<!tpu.dma_semaphore, #tpu.memory_space<semaphore_mem>>) src(%arg2 : memref<800xf32, #tpu.memory_space<hbm>>) dst(%arg4 : memref<800xf32, #tpu.memory_space<vmem_shared>>)
        tpu.yield
      }) : () -> ()
      "tpu.region"() ({
        %run_scoped3A = tpu.sem_alloc : memref<!tpu.dma_semaphore, #tpu.memory_space<semaphore_mem>>
        tpu.enqueue_dma source(%arg4 : memref<800xf32, #tpu.memory_space<vmem_shared>>) target(%arg5 : memref<800xf32, #tpu.memory_space<vmem>>) target_semaphore(%run_scoped3A : memref<!tpu.dma_semaphore, #tpu.memory_space<semaphore_mem>>)
        tpu.wait_dma2 semaphore(%run_scoped3A : memref<!tpu.dma_semaphore, #tpu.memory_space<semaphore_mem>>) src(%arg4 : memref<800xf32, #tpu.memory_space<vmem_shared>>) dst(%arg5 : memref<800xf32, #tpu.memory_space<vmem>>)
        tpu.yield
      }) : () -> ()
      %multiple_of3A = arith.constant 704 : i32
      %multiple_of3A_4 = tpu.assume_multiple %multiple_of3A, 16 : i32
      %get3A = arith.index_cast %multiple_of3A_4 : i32 to index
      %get3A_5 = tpu.vector_load %arg5[%get3A] {strides = array<i32>} : memref<800xf32, #tpu.memory_space<vmem>>, vector<16xf32>,
      %scan3A = arith.constant 0 : i32
      %scan3A_6 = arith.constant 32 : i32
      %scan3A_7 = arith.addi %scan3A, %scan3A_6 : i32
      %scan3A_8 = arith.constant 1 : i32
      %scan3A_9:6 = scf.for %scan3A_261 = %scan3A to %scan3A_7 step %scan3A_8 iter_args(%scan3A_262 = %get3A_5, %scan3A_263 = %get3A_5, %scan3A_264 = %get3A_5, %scan3A_265 = %get3A_5, %scan3A_266 = %get3A_5, %scan3A_267 = %get3A_5) -> (vector<16xf32>, vector<16xf32>, vector<16xf32>, vector<16xf32>, vector<16xf32>, vector<16xf32>)  : i32 {
        %add3A_268 = arith.constant 12 : i32
        %add3A_269 = arith.addi %add3A_268, %scan3A_261 : i32
        %mul3A_270 = arith.constant 16 : i32
        %mul3A_271 = arith.muli %add3A_269, %mul3A_270 : i32
        %multiple_of3A_272 = tpu.assume_multiple %mul3A_271, 16 : i32
        %get3A_273 = arith.index_cast %multiple_of3A_272 : i32 to index
        %get3A_274 = tpu.vector_load %arg5[%get3A_273] {strides = array<i32>} : memref<800xf32, #tpu.memory_space<vmem>>, vector<16xf32>,
        %ge3A_275 = arith.constant 16 : i32
        %ge3A_276 = arith.cmpi sge, %scan3A_261, %ge3A_275 : i32
        %jit3A_277 = arith.constant 1 : i32
        %jit3A_278 = arith.constant 0 : i32
        %select_n3A_279 = arith.select %ge3A_276, %jit3A_277, %jit3A_278 : i32
        %rem3A = arith.constant 16 : i32
        %rem3A_280 = arith.remsi %scan3A_261, %rem3A : i32
        %add3A_281 = arith.constant 0 : i32
        %add3A_282 = arith.addi %add3A_281, %select_n3A_279 : i32
        %mul3A_283 = arith.constant 16 : i32
        %mul3A_284 = arith.muli %add3A_282, %mul3A_283 : i32
        %multiple_of3A_285 = tpu.assume_multiple %mul3A_284, 16 : i32
        %get3A_286 = arith.index_cast %multiple_of3A_285 : i32 to index
        %get3A_287 = tpu.vector_load %arg5[%get3A_286] {strides = array<i32>} : memref<800xf32, #tpu.memory_space<vmem>>, vector<16xf32>,
        %broadcast_in_dim3A_288 = vector.broadcast %rem3A_280 : i32 to vector<16xi32>
        %reshape3A = vector.shape_cast %broadcast_in_dim3A_288 : vector<16xi32> to vector<16x1xi32>
        %gather3A_289 = vector.shape_cast %reshape3A : vector<16x1xi32> to vector<16xi32>
        %gather3A_290 = tpu.dynamic_gather %get3A_287[%gather3A_289] in [0] : vector<16xf32>, vector<16xi32> -> vector<16xf32>
        %mul3A_291 = arith.mulf %gather3A_290, %get3A_274 : vector<16xf32>
        %add3A_292 = arith.addf %scan3A_262, %mul3A_291 : vector<16xf32>
        %add3A_293 = arith.constant 2 : i32
        %add3A_294 = arith.addi %add3A_293, %select_n3A_279 : i32
        %mul3A_295 = arith.constant 16 : i32
        %mul3A_296 = arith.muli %add3A_294, %mul3A_295 : i32
        %multiple_of3A_297 = tpu.assume_multiple %mul3A_296, 16 : i32
        %get3A_298 = arith.index_cast %multiple_of3A_297 : i32 to index
        %get3A_299 = tpu.vector_load %arg5[%get3A_298] {strides = array<i32>} : memref<800xf32, #tpu.memory_space<vmem>>, vector<16xf32>,
        %broadcast_in_dim3A_300 = vector.broadcast %rem3A_280 : i32 to vector<16xi32>
        %reshape3A_301 = vector.shape_cast %broadcast_in_dim3A_300 : vector<16xi32> to vector<16x1xi32>
        %gather3A_302 = vector.shape_cast %reshape3A_301 : vector<16x1xi32> to vector<16xi32>
        %gather3A_303 = tpu.dynamic_gather %get3A_299[%gather3A_302] in [0] : vector<16xf32>, vector<16xi32> -> vector<16xf32>
        %mul3A_304 = arith.mulf %gather3A_303, %get3A_274 : vector<16xf32>
        %add3A_305 = arith.addf %scan3A_263, %mul3A_304 : vector<16xf32>
        %add3A_306 = arith.constant 4 : i32
        %add3A_307 = arith.addi %add3A_306, %select_n3A_279 : i32
        %mul3A_308 = arith.constant 16 : i32
        %mul3A_309 = arith.muli %add3A_307, %mul3A_308 : i32
        %multiple_of3A_310 = tpu.assume_multiple %mul3A_309, 16 : i32
        %get3A_311 = arith.index_cast %multiple_of3A_310 : i32 to index
        %get3A_312 = tpu.vector_load %arg5[%get3A_311] {strides = array<i32>} : memref<800xf32, #tpu.memory_space<vmem>>, vector<16xf32>,
        %broadcast_in_dim3A_313 = vector.broadcast %rem3A_280 : i32 to vector<16xi32>
        %reshape3A_314 = vector.shape_cast %broadcast_in_dim3A_313 : vector<16xi32> to vector<16x1xi32>
        %gather3A_315 = vector.shape_cast %reshape3A_314 : vector<16x1xi32> to vector<16xi32>
        %gather3A_316 = tpu.dynamic_gather %get3A_312[%gather3A_315] in [0] : vector<16xf32>, vector<16xi32> -> vector<16xf32>
        %mul3A_317 = arith.mulf %gather3A_316, %get3A_274 : vector<16xf32>
        %add3A_318 = arith.addf %scan3A_264, %mul3A_317 : vector<16xf32>
        %add3A_319 = arith.constant 6 : i32
        %add3A_320 = arith.addi %add3A_319, %select_n3A_279 : i32
        %mul3A_321 = arith.constant 16 : i32
        %mul3A_322 = arith.muli %add3A_320, %mul3A_321 : i32
        %multiple_of3A_323 = tpu.assume_multiple %mul3A_322, 16 : i32
        %get3A_324 = arith.index_cast %multiple_of3A_323 : i32 to index
        %get3A_325 = tpu.vector_load %arg5[%get3A_324] {strides = array<i32>} : memref<800xf32, #tpu.memory_space<vmem>>, vector<16xf32>,
        %broadcast_in_dim3A_326 = vector.broadcast %rem3A_280 : i32 to vector<16xi32>
        %reshape3A_327 = vector.shape_cast %broadcast_in_dim3A_326 : vector<16xi32> to vector<16x1xi32>
        %gather3A_328 = vector.shape_cast %reshape3A_327 : vector<16x1xi32> to vector<16xi32>
        %gather3A_329 = tpu.dynamic_gather %get3A_325[%gather3A_328] in [0] : vector<16xf32>, vector<16xi32> -> vector<16xf32>
        %mul3A_330 = arith.mulf %gather3A_329, %get3A_274 : vector<16xf32>
        %add3A_331 = arith.addf %scan3A_265, %mul3A_330 : vector<16xf32>
        %add3A_332 = arith.constant 8 : i32
        %add3A_333 = arith.addi %add3A_332, %select_n3A_279 : i32
        %mul3A_334 = arith.constant 16 : i32
        %mul3A_335 = arith.muli %add3A_333, %mul3A_334 : i32
        %multiple_of3A_336 = tpu.assume_multiple %mul3A_335, 16 : i32
        %get3A_337 = arith.index_cast %multiple_of3A_336 : i32 to index
        %get3A_338 = tpu.vector_load %arg5[%get3A_337] {strides = array<i32>} : memref<800xf32, #tpu.memory_space<vmem>>, vector<16xf32>,
        %broadcast_in_dim3A_339 = vector.broadcast %rem3A_280 : i32 to vector<16xi32>
        %reshape3A_340 = vector.shape_cast %broadcast_in_dim3A_339 : vector<16xi32> to vector<16x1xi32>
        %gather3A_341 = vector.shape_cast %reshape3A_340 : vector<16x1xi32> to vector<16xi32>
        %gather3A_342 = tpu.dynamic_gather %get3A_338[%gather3A_341] in [0] : vector<16xf32>, vector<16xi32> -> vector<16xf32>
        %mul3A_343 = arith.mulf %gather3A_342, %get3A_274 : vector<16xf32>
        %add3A_344 = arith.addf %scan3A_266, %mul3A_343 : vector<16xf32>
        %add3A_345 = arith.constant 10 : i32
        %add3A_346 = arith.addi %add3A_345, %select_n3A_279 : i32
        %mul3A_347 = arith.constant 16 : i32
        %mul3A_348 = arith.muli %add3A_346, %mul3A_347 : i32
        %multiple_of3A_349 = tpu.assume_multiple %mul3A_348, 16 : i32
        %get3A_350 = arith.index_cast %multiple_of3A_349 : i32 to index
        %get3A_351 = tpu.vector_load %arg5[%get3A_350] {strides = array<i32>} : memref<800xf32, #tpu.memory_space<vmem>>, vector<16xf32>,
        %broadcast_in_dim3A_352 = vector.broadcast %rem3A_280 : i32 to vector<16xi32>
        %reshape3A_353 = vector.shape_cast %broadcast_in_dim3A_352 : vector<16xi32> to vector<16x1xi32>
        %gather3A_354 = vector.shape_cast %reshape3A_353 : vector<16x1xi32> to vector<16xi32>
        %gather3A_355 = tpu.dynamic_gather %get3A_351[%gather3A_354] in [0] : vector<16xf32>, vector<16xi32> -> vector<16xf32>
        %mul3A_356 = arith.mulf %gather3A_355, %get3A_274 : vector<16xf32>
        %add3A_357 = arith.addf %scan3A_267, %mul3A_356 : vector<16xf32>
        scf.yield %add3A_292, %add3A_305, %add3A_318, %add3A_331, %add3A_344, %add3A_357 : vector<16xf32>, vector<16xf32>, vector<16xf32>, vector<16xf32>, vector<16xf32>, vector<16xf32>
      }
      %scan3A_10 = arith.constant 32 : i32
      %swap3A = arith.constant 0 : index
      %swap3A_11 = tpu.vector_load %arg6[%swap3A] {strides = array<i32>} : memref<96xf32, #tpu.memory_space<vmem>>, vector<16xf32>,
      tpu.vector_store %arg6[%swap3A], %scan3A_9#0 {strides = array<i32>} : memref<96xf32, #tpu.memory_space<vmem>>, vector<16xf32>,
      %swap3A_12 = arith.constant 16 : index
      %swap3A_13 = tpu.vector_load %arg6[%swap3A_12] {strides = array<i32>} : memref<96xf32, #tpu.memory_space<vmem>>, vector<16xf32>,
      tpu.vector_store %arg6[%swap3A_12], %scan3A_9#1 {strides = array<i32>} : memref<96xf32, #tpu.memory_space<vmem>>, vector<16xf32>,
      %swap3A_14 = arith.constant 32 : index
      %swap3A_15 = tpu.vector_load %arg6[%swap3A_14] {strides = array<i32>} : memref<96xf32, #tpu.memory_space<vmem>>, vector<16xf32>,
      tpu.vector_store %arg6[%swap3A_14], %scan3A_9#2 {strides = array<i32>} : memref<96xf32, #tpu.memory_space<vmem>>, vector<16xf32>,
      %swap3A_16 = arith.constant 48 : index
      %swap3A_17 = tpu.vector_load %arg6[%swap3A_16] {strides = array<i32>} : memref<96xf32, #tpu.memory_space<vmem>>, vector<16xf32>,
      tpu.vector_store %arg6[%swap3A_16], %scan3A_9#3 {strides = array<i32>} : memref<96xf32, #tpu.memory_space<vmem>>, vector<16xf32>,
      %swap3A_18 = arith.constant 64 : index
      %swap3A_19 = tpu.vector_load %arg6[%swap3A_18] {strides = array<i32>} : memref<96xf32, #tpu.memory_space<vmem>>, vector<16xf32>,
      tpu.vector_store %arg6[%swap3A_18], %scan3A_9#4 {strides = array<i32>} : memref<96xf32, #tpu.memory_space<vmem>>, vector<16xf32>,
      %swap3A_20 = arith.constant 80 : index
      %swap3A_21 = tpu.vector_load %arg6[%swap3A_20] {strides = array<i32>} : memref<96xf32, #tpu.memory_space<vmem>>, vector<16xf32>,
      tpu.vector_store %arg6[%swap3A_20], %scan3A_9#5 {strides = array<i32>} : memref<96xf32, #tpu.memory_space<vmem>>, vector<16xf32>,
      %iota3A = tpu.iota {dimensions = array<i32: 0>} : vector<16xi32>
      %ge3A = arith.constant 1 : i32
      %ge3A_22 = vector.broadcast %ge3A : i32 to vector<16xi32>
      %ge3A_23 = arith.cmpi sge, %iota3A, %ge3A_22 : vector<16xi32>
      %lt3A = arith.constant 6 : i32
      %lt3A_24 = vector.broadcast %lt3A : i32 to vector<16xi32>
      %lt3A_25 = arith.cmpi slt, %iota3A, %lt3A_24 : vector<16xi32>
      %and3A_26 = arith.andi %ge3A_23, %lt3A_25 : vector<16xi1>
      %jit3A = arith.constant 1 : i32
      %jit3A_27 = arith.constant 0 : i32
      %broadcast_in_dim3A = vector.broadcast %jit3A : i32 to vector<16xi32>
      %broadcast_in_dim3A_28 = vector.broadcast %jit3A_27 : i32 to vector<16xi32>
      %select_n3A = arith.select %and3A_26, %broadcast_in_dim3A, %broadcast_in_dim3A_28 : vector<16xi1>, vector<16xi32>
      %broadcast_in_dim3A_29 = arith.constant 0 : i32
      %broadcast_in_dim3A_30 = vector.broadcast %broadcast_in_dim3A_29 : i32 to vector<16xi32>
      %convert_element_type3A_31 = arith.sitofp %select_n3A : vector<16xi32> to vector<16xf32>
      %cumsum3A = arith.constant true
      %cumsum3A_32 = vector.broadcast %cumsum3A : i1 to vector<16xi1>
      %cumsum3A_33 = tpu.scan <sum>, %convert_element_type3A_31 masked %cumsum3A_32 : vector<16xf32>, vector<16xi1> -> vector<16xf32>
      %sub3A = arith.subf %cumsum3A_33, %convert_element_type3A_31 : vector<16xf32>
      %convert_element_type3A_34 = arith.fptosi %sub3A : vector<16xf32> to vector<16xi32>
      %add3A = arith.constant 720 : i32
      %add3A_35 = vector.broadcast %add3A : i32 to vector<16xi32>
      %add3A_36 = arith.addi %add3A_35, %convert_element_type3A_34 : vector<16xi32>
      %gather3A = tpu.vector_load_idx %arg5[%add3A_36] : memref<800xf32, #tpu.memory_space<vmem>>[vector<16xi32>], vector<16xf32>,
      %eq3A_37 = arith.constant 1 : i32
      %eq3A_38 = vector.broadcast %eq3A_37 : i32 to vector<16xi32>
      %eq3A_39 = arith.cmpi eq, %select_n3A, %eq3A_38 : vector<16xi32>
      %add3A_40 = arith.addf %scan3A_9#0, %gather3A : vector<16xf32>
      %jit3A_41 = arith.constant -1.000000e+30 : f32
      %broadcast_in_dim3A_42 = vector.broadcast %jit3A_41 : f32 to vector<16xf32>
      %select_n3A_43 = arith.select %eq3A_39, %add3A_40, %broadcast_in_dim3A_42 : vector<16xi1>, vector<16xf32>
      %reduce_max3A = arith.constant true
      %reduce_max3A_44 = vector.broadcast %reduce_max3A : i1 to vector<16xi1>
      %reduce_max3A_45 = tpu.scan <max>, %select_n3A_43 masked %reduce_max3A_44 : vector<16xf32>, vector<16xi1> -> vector<16xf32>
      %reduce_max3A_46 = vector.extract %reduce_max3A_45[15] : f32 from vector<16xf32>
      %eq3A_47 = vector.broadcast %reduce_max3A_46 : f32 to vector<16xf32>
      %eq3A_48 = arith.cmpf oeq, %select_n3A_43, %eq3A_47 : vector<16xf32>
      %jit3A_49 = arith.constant 32 : i32
      %broadcast_in_dim3A_50 = vector.broadcast %jit3A_49 : i32 to vector<16xi32>
      %select_n3A_51 = arith.select %eq3A_48, %iota3A, %broadcast_in_dim3A_50 : vector<16xi1>, vector<16xi32>
      %reduce_min3A = arith.constant true
      %reduce_min3A_52 = vector.broadcast %reduce_min3A : i1 to vector<16xi1>
      %reduce_min3A_53 = arith.constant -2147483648 : i32
      %reduce_min3A_54 = vector.broadcast %reduce_min3A_53 : i32 to vector<16xi32>
      %reduce_min3A_55 = arith.xori %select_n3A_51, %reduce_min3A_54 : vector<16xi32>
      %reduce_min3A_56 = tpu.scan <min>, %reduce_min3A_55 masked %reduce_min3A_52 : vector<16xi32>, vector<16xi1> -> vector<16xi32>
      %reduce_min3A_57 = arith.xori %reduce_min3A_56, %reduce_min3A_54 : vector<16xi32>
      %reduce_min3A_58 = vector.extract %reduce_min3A_57[15] : i32 from vector<16xi32>
      %broadcast_in_dim3A_59 = vector.broadcast %reduce_min3A_58 : i32 to vector<16xi32>
      %eq3A_60 = arith.constant 1 : i32
      %eq3A_61 = vector.broadcast %eq3A_60 : i32 to vector<16xi32>
      %eq3A_62 = arith.cmpi eq, %iota3A, %eq3A_61 : vector<16xi32>
      %select_n3A_63 = arith.select %eq3A_62, %broadcast_in_dim3A_59, %broadcast_in_dim3A_30 : vector<16xi1>, vector<16xi32>
      %eq3A_64 = arith.cmpi eq, %iota3A, %broadcast_in_dim3A_59 : vector<16xi32>
      %jit3A_65 = arith.constant 0 : i32
      %broadcast_in_dim3A_66 = vector.broadcast %jit3A_65 : i32 to vector<16xi32>
      %select_n3A_67 = arith.select %eq3A_64, %broadcast_in_dim3A_66, %select_n3A : vector<16xi1>, vector<16xi32>
      %mul3A = arith.constant 16 : i32
      %mul3A_68 = vector.broadcast %mul3A : i32 to vector<16xi32>
      %mul3A_69 = arith.muli %broadcast_in_dim3A_59, %mul3A_68 : vector<16xi32>
      %add3A_70 = arith.addi %mul3A_69, %iota3A : vector<16xi32>
      %gather3A_71 = tpu.vector_load_idx %arg6[%add3A_70] : memref<96xf32, #tpu.memory_space<vmem>>[vector<16xi32>], vector<16xf32>,
      %convert_element_type3A_72 = arith.sitofp %select_n3A_67 : vector<16xi32> to vector<16xf32>
      %cumsum3A_73 = arith.constant true
      %cumsum3A_74 = vector.broadcast %cumsum3A_73 : i1 to vector<16xi1>
      %cumsum3A_75 = tpu.scan <sum>, %convert_element_type3A_72 masked %cumsum3A_74 : vector<16xf32>, vector<16xi1> -> vector<16xf32>
      %sub3A_76 = arith.subf %cumsum3A_75, %convert_element_type3A_72 : vector<16xf32>
      %convert_element_type3A_77 = arith.fptosi %sub3A_76 : vector<16xf32> to vector<16xi32>
      %add3A_78 = arith.constant 736 : i32
      %add3A_79 = vector.broadcast %add3A_78 : i32 to vector<16xi32>
      %add3A_80 = arith.addi %add3A_79, %convert_element_type3A_77 : vector<16xi32>
      %gather3A_81 = tpu.vector_load_idx %arg5[%add3A_80] : memref<800xf32, #tpu.memory_space<vmem>>[vector<16xi32>], vector<16xf32>,
      %eq3A_82 = arith.constant 1 : i32
      %eq3A_83 = vector.broadcast %eq3A_82 : i32 to vector<16xi32>
      %eq3A_84 = arith.cmpi eq, %select_n3A_67, %eq3A_83 : vector<16xi32>
      %add3A_85 = arith.addf %gather3A_71, %gather3A_81 : vector<16xf32>
      %jit3A_86 = arith.constant -1.000000e+30 : f32
      %broadcast_in_dim3A_87 = vector.broadcast %jit3A_86 : f32 to vector<16xf32>
      %select_n3A_88 = arith.select %eq3A_84, %add3A_85, %broadcast_in_dim3A_87 : vector<16xi1>, vector<16xf32>
      %reduce_max3A_89 = arith.constant true
      %reduce_max3A_90 = vector.broadcast %reduce_max3A_89 : i1 to vector<16xi1>
      %reduce_max3A_91 = tpu.scan <max>, %select_n3A_88 masked %reduce_max3A_90 : vector<16xf32>, vector<16xi1> -> vector<16xf32>
      %reduce_max3A_92 = vector.extract %reduce_max3A_91[15] : f32 from vector<16xf32>
      %eq3A_93 = vector.broadcast %reduce_max3A_92 : f32 to vector<16xf32>
      %eq3A_94 = arith.cmpf oeq, %select_n3A_88, %eq3A_93 : vector<16xf32>
      %jit3A_95 = arith.constant 32 : i32
      %broadcast_in_dim3A_96 = vector.broadcast %jit3A_95 : i32 to vector<16xi32>
      %select_n3A_97 = arith.select %eq3A_94, %iota3A, %broadcast_in_dim3A_96 : vector<16xi1>, vector<16xi32>
      %reduce_min3A_98 = arith.constant true
      %reduce_min3A_99 = vector.broadcast %reduce_min3A_98 : i1 to vector<16xi1>
      %reduce_min3A_100 = arith.constant -2147483648 : i32
      %reduce_min3A_101 = vector.broadcast %reduce_min3A_100 : i32 to vector<16xi32>
      %reduce_min3A_102 = arith.xori %select_n3A_97, %reduce_min3A_101 : vector<16xi32>
      %reduce_min3A_103 = tpu.scan <min>, %reduce_min3A_102 masked %reduce_min3A_99 : vector<16xi32>, vector<16xi1> -> vector<16xi32>
      %reduce_min3A_104 = arith.xori %reduce_min3A_103, %reduce_min3A_101 : vector<16xi32>
      %reduce_min3A_105 = vector.extract %reduce_min3A_104[15] : i32 from vector<16xi32>
      %broadcast_in_dim3A_106 = vector.broadcast %reduce_min3A_105 : i32 to vector<16xi32>
      %eq3A_107 = arith.constant 2 : i32
      %eq3A_108 = vector.broadcast %eq3A_107 : i32 to vector<16xi32>
      %eq3A_109 = arith.cmpi eq, %iota3A, %eq3A_108 : vector<16xi32>
      %select_n3A_110 = arith.select %eq3A_109, %broadcast_in_dim3A_106, %select_n3A_63 : vector<16xi1>, vector<16xi32>
      %eq3A_111 = arith.cmpi eq, %iota3A, %broadcast_in_dim3A_106 : vector<16xi32>
      %jit3A_112 = arith.constant 0 : i32
      %broadcast_in_dim3A_113 = vector.broadcast %jit3A_112 : i32 to vector<16xi32>
      %select_n3A_114 = arith.select %eq3A_111, %broadcast_in_dim3A_113, %select_n3A_67 : vector<16xi1>, vector<16xi32>
      %mul3A_115 = arith.constant 16 : i32
      %mul3A_116 = vector.broadcast %mul3A_115 : i32 to vector<16xi32>
      %mul3A_117 = arith.muli %broadcast_in_dim3A_106, %mul3A_116 : vector<16xi32>
      %add3A_118 = arith.addi %mul3A_117, %iota3A : vector<16xi32>
      %gather3A_119 = tpu.vector_load_idx %arg6[%add3A_118] : memref<96xf32, #tpu.memory_space<vmem>>[vector<16xi32>], vector<16xf32>,
      %convert_element_type3A_120 = arith.sitofp %select_n3A_114 : vector<16xi32> to vector<16xf32>
      %cumsum3A_121 = arith.constant true
      %cumsum3A_122 = vector.broadcast %cumsum3A_121 : i1 to vector<16xi1>
      %cumsum3A_123 = tpu.scan <sum>, %convert_element_type3A_120 masked %cumsum3A_122 : vector<16xf32>, vector<16xi1> -> vector<16xf32>
      %sub3A_124 = arith.subf %cumsum3A_123, %convert_element_type3A_120 : vector<16xf32>
      %convert_element_type3A_125 = arith.fptosi %sub3A_124 : vector<16xf32> to vector<16xi32>
      %add3A_126 = arith.constant 752 : i32
      %add3A_127 = vector.broadcast %add3A_126 : i32 to vector<16xi32>
      %add3A_128 = arith.addi %add3A_127, %convert_element_type3A_125 : vector<16xi32>
      %gather3A_129 = tpu.vector_load_idx %arg5[%add3A_128] : memref<800xf32, #tpu.memory_space<vmem>>[vector<16xi32>], vector<16xf32>,
      %eq3A_130 = arith.constant 1 : i32
      %eq3A_131 = vector.broadcast %eq3A_130 : i32 to vector<16xi32>
      %eq3A_132 = arith.cmpi eq, %select_n3A_114, %eq3A_131 : vector<16xi32>
      %add3A_133 = arith.addf %gather3A_119, %gather3A_129 : vector<16xf32>
      %jit3A_134 = arith.constant -1.000000e+30 : f32
      %broadcast_in_dim3A_135 = vector.broadcast %jit3A_134 : f32 to vector<16xf32>
      %select_n3A_136 = arith.select %eq3A_132, %add3A_133, %broadcast_in_dim3A_135 : vector<16xi1>, vector<16xf32>
      %reduce_max3A_137 = arith.constant true
      %reduce_max3A_138 = vector.broadcast %reduce_max3A_137 : i1 to vector<16xi1>
      %reduce_max3A_139 = tpu.scan <max>, %select_n3A_136 masked %reduce_max3A_138 : vector<16xf32>, vector<16xi1> -> vector<16xf32>
      %reduce_max3A_140 = vector.extract %reduce_max3A_139[15] : f32 from vector<16xf32>
      %eq3A_141 = vector.broadcast %reduce_max3A_140 : f32 to vector<16xf32>
      %eq3A_142 = arith.cmpf oeq, %select_n3A_136, %eq3A_141 : vector<16xf32>
      %jit3A_143 = arith.constant 32 : i32
      %broadcast_in_dim3A_144 = vector.broadcast %jit3A_143 : i32 to vector<16xi32>
      %select_n3A_145 = arith.select %eq3A_142, %iota3A, %broadcast_in_dim3A_144 : vector<16xi1>, vector<16xi32>
      %reduce_min3A_146 = arith.constant true
      %reduce_min3A_147 = vector.broadcast %reduce_min3A_146 : i1 to vector<16xi1>
      %reduce_min3A_148 = arith.constant -2147483648 : i32
      %reduce_min3A_149 = vector.broadcast %reduce_min3A_148 : i32 to vector<16xi32>
      %reduce_min3A_150 = arith.xori %select_n3A_145, %reduce_min3A_149 : vector<16xi32>
      %reduce_min3A_151 = tpu.scan <min>, %reduce_min3A_150 masked %reduce_min3A_147 : vector<16xi32>, vector<16xi1> -> vector<16xi32>
      %reduce_min3A_152 = arith.xori %reduce_min3A_151, %reduce_min3A_149 : vector<16xi32>
      %reduce_min3A_153 = vector.extract %reduce_min3A_152[15] : i32 from vector<16xi32>
      %broadcast_in_dim3A_154 = vector.broadcast %reduce_min3A_153 : i32 to vector<16xi32>
      %eq3A_155 = arith.constant 3 : i32
      %eq3A_156 = vector.broadcast %eq3A_155 : i32 to vector<16xi32>
      %eq3A_157 = arith.cmpi eq, %iota3A, %eq3A_156 : vector<16xi32>
      %select_n3A_158 = arith.select %eq3A_157, %broadcast_in_dim3A_154, %select_n3A_110 : vector<16xi1>, vector<16xi32>
      %eq3A_159 = arith.cmpi eq, %iota3A, %broadcast_in_dim3A_154 : vector<16xi32>
      %jit3A_160 = arith.constant 0 : i32
      %broadcast_in_dim3A_161 = vector.broadcast %jit3A_160 : i32 to vector<16xi32>
      %select_n3A_162 = arith.select %eq3A_159, %broadcast_in_dim3A_161, %select_n3A_114 : vector<16xi1>, vector<16xi32>
      %mul3A_163 = arith.constant 16 : i32
      %mul3A_164 = vector.broadcast %mul3A_163 : i32 to vector<16xi32>
      %mul3A_165 = arith.muli %broadcast_in_dim3A_154, %mul3A_164 : vector<16xi32>
      %add3A_166 = arith.addi %mul3A_165, %iota3A : vector<16xi32>
      %gather3A_167 = tpu.vector_load_idx %arg6[%add3A_166] : memref<96xf32, #tpu.memory_space<vmem>>[vector<16xi32>], vector<16xf32>,
      %convert_element_type3A_168 = arith.sitofp %select_n3A_162 : vector<16xi32> to vector<16xf32>
      %cumsum3A_169 = arith.constant true
      %cumsum3A_170 = vector.broadcast %cumsum3A_169 : i1 to vector<16xi1>
      %cumsum3A_171 = tpu.scan <sum>, %convert_element_type3A_168 masked %cumsum3A_170 : vector<16xf32>, vector<16xi1> -> vector<16xf32>
      %sub3A_172 = arith.subf %cumsum3A_171, %convert_element_type3A_168 : vector<16xf32>
      %convert_element_type3A_173 = arith.fptosi %sub3A_172 : vector<16xf32> to vector<16xi32>
      %add3A_174 = arith.constant 768 : i32
      %add3A_175 = vector.broadcast %add3A_174 : i32 to vector<16xi32>
      %add3A_176 = arith.addi %add3A_175, %convert_element_type3A_173 : vector<16xi32>
      %gather3A_177 = tpu.vector_load_idx %arg5[%add3A_176] : memref<800xf32, #tpu.memory_space<vmem>>[vector<16xi32>], vector<16xf32>,
      %eq3A_178 = arith.constant 1 : i32
      %eq3A_179 = vector.broadcast %eq3A_178 : i32 to vector<16xi32>
      %eq3A_180 = arith.cmpi eq, %select_n3A_162, %eq3A_179 : vector<16xi32>
      %add3A_181 = arith.addf %gather3A_167, %gather3A_177 : vector<16xf32>
      %jit3A_182 = arith.constant -1.000000e+30 : f32
      %broadcast_in_dim3A_183 = vector.broadcast %jit3A_182 : f32 to vector<16xf32>
      %select_n3A_184 = arith.select %eq3A_180, %add3A_181, %broadcast_in_dim3A_183 : vector<16xi1>, vector<16xf32>
      %reduce_max3A_185 = arith.constant true
      %reduce_max3A_186 = vector.broadcast %reduce_max3A_185 : i1 to vector<16xi1>
      %reduce_max3A_187 = tpu.scan <max>, %select_n3A_184 masked %reduce_max3A_186 : vector<16xf32>, vector<16xi1> -> vector<16xf32>
      %reduce_max3A_188 = vector.extract %reduce_max3A_187[15] : f32 from vector<16xf32>
      %eq3A_189 = vector.broadcast %reduce_max3A_188 : f32 to vector<16xf32>
      %eq3A_190 = arith.cmpf oeq, %select_n3A_184, %eq3A_189 : vector<16xf32>
      %jit3A_191 = arith.constant 32 : i32
      %broadcast_in_dim3A_192 = vector.broadcast %jit3A_191 : i32 to vector<16xi32>
      %select_n3A_193 = arith.select %eq3A_190, %iota3A, %broadcast_in_dim3A_192 : vector<16xi1>, vector<16xi32>
      %reduce_min3A_194 = arith.constant true
      %reduce_min3A_195 = vector.broadcast %reduce_min3A_194 : i1 to vector<16xi1>
      %reduce_min3A_196 = arith.constant -2147483648 : i32
      %reduce_min3A_197 = vector.broadcast %reduce_min3A_196 : i32 to vector<16xi32>
      %reduce_min3A_198 = arith.xori %select_n3A_193, %reduce_min3A_197 : vector<16xi32>
      %reduce_min3A_199 = tpu.scan <min>, %reduce_min3A_198 masked %reduce_min3A_195 : vector<16xi32>, vector<16xi1> -> vector<16xi32>
      %reduce_min3A_200 = arith.xori %reduce_min3A_199, %reduce_min3A_197 : vector<16xi32>
      %reduce_min3A_201 = vector.extract %reduce_min3A_200[15] : i32 from vector<16xi32>
      %broadcast_in_dim3A_202 = vector.broadcast %reduce_min3A_201 : i32 to vector<16xi32>
      %eq3A_203 = arith.constant 4 : i32
      %eq3A_204 = vector.broadcast %eq3A_203 : i32 to vector<16xi32>
      %eq3A_205 = arith.cmpi eq, %iota3A, %eq3A_204 : vector<16xi32>
      %select_n3A_206 = arith.select %eq3A_205, %broadcast_in_dim3A_202, %select_n3A_158 : vector<16xi1>, vector<16xi32>
      %eq3A_207 = arith.cmpi eq, %iota3A, %broadcast_in_dim3A_202 : vector<16xi32>
      %jit3A_208 = arith.constant 0 : i32
      %broadcast_in_dim3A_209 = vector.broadcast %jit3A_208 : i32 to vector<16xi32>
      %select_n3A_210 = arith.select %eq3A_207, %broadcast_in_dim3A_209, %select_n3A_162 : vector<16xi1>, vector<16xi32>
      %mul3A_211 = arith.constant 16 : i32
      %mul3A_212 = vector.broadcast %mul3A_211 : i32 to vector<16xi32>
      %mul3A_213 = arith.muli %broadcast_in_dim3A_202, %mul3A_212 : vector<16xi32>
      %add3A_214 = arith.addi %mul3A_213, %iota3A : vector<16xi32>
      %gather3A_215 = tpu.vector_load_idx %arg6[%add3A_214] : memref<96xf32, #tpu.memory_space<vmem>>[vector<16xi32>], vector<16xf32>,
      %convert_element_type3A_216 = arith.sitofp %select_n3A_210 : vector<16xi32> to vector<16xf32>
      %cumsum3A_217 = arith.constant true
      %cumsum3A_218 = vector.broadcast %cumsum3A_217 : i1 to vector<16xi1>
      %cumsum3A_219 = tpu.scan <sum>, %convert_element_type3A_216 masked %cumsum3A_218 : vector<16xf32>, vector<16xi1> -> vector<16xf32>
      %sub3A_220 = arith.subf %cumsum3A_219, %convert_element_type3A_216 : vector<16xf32>
      %convert_element_type3A_221 = arith.fptosi %sub3A_220 : vector<16xf32> to vector<16xi32>
      %add3A_222 = arith.constant 784 : i32
      %add3A_223 = vector.broadcast %add3A_222 : i32 to vector<16xi32>
      %add3A_224 = arith.addi %add3A_223, %convert_element_type3A_221 : vector<16xi32>
      %gather3A_225 = tpu.vector_load_idx %arg5[%add3A_224] : memref<800xf32, #tpu.memory_space<vmem>>[vector<16xi32>], vector<16xf32>,
      %eq3A_226 = arith.constant 1 : i32
      %eq3A_227 = vector.broadcast %eq3A_226 : i32 to vector<16xi32>
      %eq3A_228 = arith.cmpi eq, %select_n3A_210, %eq3A_227 : vector<16xi32>
      %add3A_229 = arith.addf %gather3A_215, %gather3A_225 : vector<16xf32>
      %jit3A_230 = arith.constant -1.000000e+30 : f32
      %broadcast_in_dim3A_231 = vector.broadcast %jit3A_230 : f32 to vector<16xf32>
      %select_n3A_232 = arith.select %eq3A_228, %add3A_229, %broadcast_in_dim3A_231 : vector<16xi1>, vector<16xf32>
      %reduce_max3A_233 = arith.constant true
      %reduce_max3A_234 = vector.broadcast %reduce_max3A_233 : i1 to vector<16xi1>
      %reduce_max3A_235 = tpu.scan <max>, %select_n3A_232 masked %reduce_max3A_234 : vector<16xf32>, vector<16xi1> -> vector<16xf32>
      %reduce_max3A_236 = vector.extract %reduce_max3A_235[15] : f32 from vector<16xf32>
      %eq3A_237 = vector.broadcast %reduce_max3A_236 : f32 to vector<16xf32>
      %eq3A_238 = arith.cmpf oeq, %select_n3A_232, %eq3A_237 : vector<16xf32>
      %jit3A_239 = arith.constant 32 : i32
      %broadcast_in_dim3A_240 = vector.broadcast %jit3A_239 : i32 to vector<16xi32>
      %select_n3A_241 = arith.select %eq3A_238, %iota3A, %broadcast_in_dim3A_240 : vector<16xi1>, vector<16xi32>
      %reduce_min3A_242 = arith.constant true
      %reduce_min3A_243 = vector.broadcast %reduce_min3A_242 : i1 to vector<16xi1>
      %reduce_min3A_244 = arith.constant -2147483648 : i32
      %reduce_min3A_245 = vector.broadcast %reduce_min3A_244 : i32 to vector<16xi32>
      %reduce_min3A_246 = arith.xori %select_n3A_241, %reduce_min3A_245 : vector<16xi32>
      %reduce_min3A_247 = tpu.scan <min>, %reduce_min3A_246 masked %reduce_min3A_243 : vector<16xi32>, vector<16xi1> -> vector<16xi32>
      %reduce_min3A_248 = arith.xori %reduce_min3A_247, %reduce_min3A_245 : vector<16xi32>
      %reduce_min3A_249 = vector.extract %reduce_min3A_248[15] : i32 from vector<16xi32>
      %broadcast_in_dim3A_250 = vector.broadcast %reduce_min3A_249 : i32 to vector<16xi32>
      %eq3A_251 = arith.constant 5 : i32
      %eq3A_252 = vector.broadcast %eq3A_251 : i32 to vector<16xi32>
      %eq3A_253 = arith.cmpi eq, %iota3A, %eq3A_252 : vector<16xi32>
      %select_n3A_254 = arith.select %eq3A_253, %broadcast_in_dim3A_250, %select_n3A_206 : vector<16xi1>, vector<16xi32>
      %eq3A_255 = arith.cmpi eq, %iota3A, %broadcast_in_dim3A_250 : vector<16xi32>
      %jit3A_256 = arith.constant 0 : i32
      %broadcast_in_dim3A_257 = vector.broadcast %jit3A_256 : i32 to vector<16xi32>
      %select_n3A_258 = arith.select %eq3A_255, %broadcast_in_dim3A_257, %select_n3A_210 : vector<16xi1>, vector<16xi32>
      %swap3A_259 = arith.constant 0 : index
      %swap3A_260 = tpu.vector_load %arg7[%swap3A_259] {strides = array<i32>} : memref<16xi32, #tpu.memory_space<vmem>>, vector<16xi32>,
      tpu.vector_store %arg7[%swap3A_259], %select_n3A_254 {strides = array<i32>} : memref<16xi32, #tpu.memory_space<vmem>>, vector<16xi32>,
      "tpu.region"() ({
        %run_scoped3A = tpu.sem_alloc : memref<!tpu.dma_semaphore, #tpu.memory_space<semaphore_mem>>
        tpu.enqueue_dma source(%arg7 : memref<16xi32, #tpu.memory_space<vmem>>) target(%arg3 : memref<16xi32, #tpu.memory_space<hbm>>) target_semaphore(%run_scoped3A : memref<!tpu.dma_semaphore, #tpu.memory_space<semaphore_mem>>)
        tpu.wait_dma2 semaphore(%run_scoped3A : memref<!tpu.dma_semaphore, #tpu.memory_space<semaphore_mem>>) src(%arg7 : memref<16xi32, #tpu.memory_space<vmem>>) dst(%arg3 : memref<16xi32, #tpu.memory_space<hbm>>)
        tpu.yield
      }) : () -> ()
    } else {
    }
    return
  }
}

</mosaic_0001>

<sc_bundles>
// kernel: kernel.3.cloned.1.call-start
scs
__scs_entry_jumppad:
0x0: {  	(pc) =	sbr.rel $0x88, $3  }
0x1: {  	(tag) =	ssettag $0x0;
	lr =	simm.s32 $0x1  }
0x2: {  	[smem:$0x3F98] =	sst lr;
	_ =	strace $0xD0000000  }
0x3: {  	_ = 	snop  }
0x4: {  	_ = 	snop  }
0x5: {  	_ = 	snop  }
0x6: {  	_ = 	snop  }
0x7: {  	_ = 	snop  }
__scs_overlays_trampoline_lowered:
0x8: {  	[smem:$0x3FA7] =	sst s0  }
0x9: {  	[smem:$0x3FA8] =	sst s1  }
0xa: {  	[smem:$0x3FA9] =	sst s2  }
0xb: {  	[smem:$0x3FAA] =	sst s3  }
0xc: {  	[smem:$0x3FAB] =	sst s4  }
0xd: {  	[smem:$0x3FAC] =	sst s5  }
0xe: {  	[smem:$0x3FAD] =	sst s6  }
0xf: {  	[smem:$0x3FAE] =	sst s7  }
0x10: {  	[smem:$0x3FAF] =	sst s8  }
0x11: {  	[smem:$0x3FB0] =	sst s9;
	s0 =	simm.s32 @!p0 $0x0  }
0x12: {  	s1 =	sld [smem:$0x3F96];
	s0 =	simm.s32 @p0 $0x1  }
0x13: {  	[smem:$0x3FB1] =	sst s0;
	s0 =	simm.s32 @!p1 $0x0  }
0x14: {  	s2 =	sld [smem:$0x3F95];
	s0 =	simm.s32 @p1 $0x1  }
0x15: {  	[smem:$0x3FB2] =	sst s0;
	s0 =	simm.s32 @!p2 $0x0  }
0x16: {  	s3 =	sld [smem:$0x3FDB];
	s0 =	simm.s32 @p2 $0x1  }
0x17: {  	s4 =	simm.s32 $0x1BF5;
	[smem:$0x3FB4] =	sst s0  }
0x18: {  	s0 =	sld [smem:$0x3F97];
	_ =	swait.ge [sflag:s4], $0x0  }
0x19: {  	s7 =	sld [smem:$0x3F98]  }
0x1a: {  	s8 =	sadd.s32 $0xFFFFE003, lr  }
0x1b: {  	s9 =	sadd.s32 $0xFFFFFEF7, lr;
	s5 =	simm.s32 $0xFFFFFFFF;
	p2 =	slt.u32 s8, $0xFFFFF086  }
0x1c: {  	p1 =	slt.u32 s9, $0xF7A;
	s5 =	simm.s32 @!p2 $0x0  }
0x1d: {  	s5 =	simm.s32 @p1 $0x1;
	p0 =	seq.s32 s7, s2  }
0x1e: {  	s7 =	smul.u32 @!p0 $0xF7A, s2;
	p2 =	seq.s32 @!p0 s5, $0x0  }
0x1f: {  	s9 =	smul.u32 $0xF7A, s1;
	s8 =	simm.s32 @!p0 $0x1BF5;
	p2 =	por !p2, p0  }
0x20: {  	[sflag:s8] =	ssyncset.s32 @!p0 $0xFFFFF086;
	s6 =	sadd.s32 @!p0 s3, s7;
	s7 =	simm.s32 @!p0 $0x108  }
0x21: {  	s3 =	sadd.s32 s3, s9;
	s6 =	sadd.s32 @!p0 $0x88, s6;
	s7 =	simm.s32 @p2 $0x1082  }
0x22: {  	[simem:s7], [sflag:s8] =	dma.local @!p0 [hbm:s6], $0xF7A  }
0x23: {  	s9 =	sor.u32 $0xD0000000, s2;
	s6 =	simm.s32 $0x108;
	_ =	swait.ge @!p0 [sflag:s8], $0x0  }
0x24: {  	s3 =	sadd.s32 $0x88, s3;
	s6 =	simm.s32 @!p1 $0x1082;
	[sflag:s4] =	ssyncset.s32 $0xFFFFF086  }
0x25: {  	[simem:s6], [sflag:s4] =	dma.local [hbm:s3], $0xF7A  }
0x26: {  	[smem:$0x3F98] =	sst s1;
	(tag) =	ssettag s2;
	_ =	strace s9  }
0x27: {  	s1 =	sld [smem:$0x3FA8]  }
0x28: {  	s2 =	sld [smem:$0x3FA9]  }
0x29: {  	s4 =	sld [smem:$0x3FAB]  }
0x2a: {  	p0 =	seq.s32 s5, $0x0;
	s5 =	sld [smem:$0x3FAC]  }
0x2b: {  	s6 =	sld [smem:$0x3FAD]  }
0x2c: {  	s7 =	sld [smem:$0x3FAE]  }
0x2d: {  	s3 =	simm.s32 $0x108;
	s8 =	sld [smem:$0x3FAF]  }
0x2e: {  	s3 =	simm.s32 @!p0 $0x1082;
	s9 =	sld [smem:$0x3FB0]  }
0x2f: {  	lr =	sadd.s32 s0, s3;
	s0 =	sld [smem:$0x3FA7]  }
0x30: {  	s3 =	sld [smem:$0x3FAA]  }
0x31: {  	[smem:$0x3FB3] =	sst s10  }
0x32: {  	s10 =	sld [smem:$0x3FB1];
	_ =	sdelay $0x3  }
0x33: {  	p0 =	seq.s32 s10, $0x1;
	s10 =	sld [smem:$0x3FB3];
	_ =	sdelay $0x3  }
0x34: {  	[smem:$0x3FB3] =	sst s10  }
0x35: {  	s10 =	sld [smem:$0x3FB2];
	_ =	sdelay $0x3  }
0x36: {  	p1 =	seq.s32 s10, $0x1;
	s10 =	sld [smem:$0x3FB3];
	_ =	sdelay $0x3  }
0x37: {  	[smem:$0x3FB3] =	sst s10  }
0x38: {  	s10 =	sld [smem:$0x3FB4]  }
0x39: {  	_ = 	snop;
	(pc) =	sbr.ind lr, $3  }
0x3a: {  	_ = 	snop  }
0x3b: {  	_ = 	snop  }
0x3c: {  	p2 =	seq.s32 s10, $0x1;
	s10 =	sld [smem:$0x3FB3]  }
0x3d: {  	_ =	shalt  }
0x3e: {  	_ =	shalt  }
0x3f: {  	_ =	shalt  }
0x40: {  	_ =	shalt  }
0x41: {  	_ =	shalt  }
0x42: {  	_ =	shalt  }
0x43: {  	_ =	shalt  }
0x44: {  	_ =	shalt  }
0x45: {  	_ =	shalt  }
0x46: {  	_ =	shalt  }
0x47: {  	_ =	shalt  }
0x48: {  	_ =	shalt  }
0x49: {  	_ =	shalt  }
0x4a: {  	_ =	shalt  }
0x4b: {  	_ =	shalt  }
0x4c: {  	_ =	shalt  }
0x4d: {  	_ =	shalt  }
0x4e: {  	_ =	shalt  }
0x4f: {  	_ =	shalt  }
0x50: {  	_ =	shalt  }
0x51: {  	_ =	shalt  }
0x52: {  	_ =	shalt  }
0x53: {  	_ =	shalt  }
0x54: {  	_ =	shalt  }
0x55: {  	_ =	shalt  }
0x56: {  	_ =	shalt  }
0x57: {  	_ =	shalt  }
0x58: {  	_ =	shalt  }
0x59: {  	_ =	shalt  }
0x5a: {  	_ =	shalt  }
0x5b: {  	_ =	shalt  }
0x5c: {  	_ =	shalt  }
0x5d: {  	_ =	shalt  }
0x5e: {  	_ =	shalt  }
0x5f: {  	_ =	shalt  }
0x60: {  	_ =	shalt  }
0x61: {  	_ =	shalt  }
0x62: {  	_ =	shalt  }
0x63: {  	_ =	shalt  }
0x64: {  	_ =	shalt  }
0x65: {  	_ =	shalt  }
0x66: {  	_ =	shalt  }
0x67: {  	_ =	shalt  }
0x68: {  	_ =	shalt  }
0x69: {  	_ =	shalt  }
0x6a: {  	_ =	shalt  }
0x6b: {  	_ =	shalt  }
0x6c: {  	_ =	shalt  }
0x6d: {  	_ =	shalt  }
0x6e: {  	_ =	shalt  }
0x6f: {  	_ =	shalt  }
0x70: {  	_ =	shalt  }
0x71: {  	_ =	shalt  }
0x72: {  	_ =	shalt  }
0x73: {  	_ =	shalt  }
0x74: {  	_ =	shalt  }
0x75: {  	_ =	shalt  }
0x76: {  	_ =	shalt  }
0x77: {  	_ =	shalt  }
0x78: {  	_ =	shalt  }
0x79: {  	_ =	shalt  }
0x7a: {  	_ =	shalt  }
0x7b: {  	_ =	shalt  }
0x7c: {  	_ =	shalt  }
0x7d: {  	_ =	shalt  }
0x7e: {  	_ =	shalt  }
0x7f: {  	_ =	shalt  }
0x80: {  	_ =	shalt  }
0x81: {  	_ =	shalt  }
0x82: {  	_ =	shalt  }
0x83: {  	_ =	shalt  }
0x84: {  	_ =	shalt  }
0x85: {  	_ =	shalt  }
0x86: {  	_ =	shalt  }
0x87: {  	_ =	shalt  }
.Lfunc_end0:
.L_simem_size_0:
called_computation_lowered:
.L_overlay_start_0:
0x88: {  	s0 =	sld [smem:$0x3FD9]  }
0x89: {  	s1 =	sld [smem:$0x3FFE];
	_ =	sdelay $0x3  }
0x8a: {  	s0 =	sadd.s32 s1, s0  }
0x8b: {  	[smem:$0x3FBF] =	sst s0  }
0x8c: {  	_ = 	snop  }
0x8d: {  	s0 =	sld [smem:$0x3FD0];
	_ =	sdelay $0x2  }
0x8e: {  	s13 =	simm.s32 $0xA;
	s2 =	simm.s32 $0x10  }
0x8f: {  	[smem:s2], [sflag:s13] =	dma.local [hbm:s0], $0x1  }
0x90: {  	_ =	swait.eq [sflag:s13], $0x1  }
0x91: {  	[sflag:s13] =	ssyncset.done $0x0  }
0x92: {  	[sflag:s13] =	ssyncadd.s32 $0xFFFFFFFF  }
0x93: {  	s14 =	sld [smem:$0x11];
	(tm) =	ssettm $0x1  }
0x94: {  	s15 =	sld [smem:$0x3FFB];
	_ =	sdelay $0x3  }
0x95: {  	_ =	strace s15  }
0x96: {  	s1 =	sld [smem:$0x3FFC];
	_ =	sdelay $0x3  }
0x97: {  	_ =	strace s1  }
0x98: {  	s1 =	sld [smem:$0x3FFD];
	_ =	sdelay $0x3  }
0x99: {  	_ =	strace s1  }
0x9a: {  	_ =	strace $0x8FFFFFFF  }
0x9b: {  	s16 =	sld [smem:$0x3FDB];
	_ =	sdelay $0x1  }
0x9c: {  	s17 =	simm.s32 $_scs_section_size  }
0x9d: {  	s3 =	simm.s32 $_size__tile_overlayer_lowered;
	s4 =	simm.s32 $_tile_overlayer_lowered  }
0x9e: {  	s20 =	simm.s32 $0x1BFF;
	s19 =	sshll.u32 s4, $0x1;
	s1 =	sadd.s32 s17, s16  }
0x9f: {  	s5 =	simm.s32 $0x0;
	s18 =	sshll.u32 s3, $0x1;
	s3 =	sadd.s32 s19, s1  }
0xa0: {  	[timem:s5], [sflag:s20] =	dma.local [hbm:s3], s18  }
0xa1: {  	_ =	swait.ge [sflag:s20], s18  }
0xa2: {  	s2 =	ssub.s32 $0x0, s18;
	[sflag:s20] =	ssyncset.done $0x0  }
0xa3: {  	[sflag:s20] =	ssyncadd.s32 s2;
	_ =	sdelay $0x1  }
0xa4: {  	s21 =	simm.s32 $0x1B8B  }
0xa5: {  	_ =	swait.ge [sflag:s21], $0x1  }
0xa6: {  	[sflag:s21] =	ssyncset.done $0x0  }
0xa7: {  	s23 =	simm.s32 $0x1B8E;
	s22 =	sld [smem:$0x3FFE];
	[sflag:s21] =	ssyncadd.s32 $0xFFFFFFFF  }
0xa8: {  	s24 =	simm.s32 $execute0_lowered;
	[smem:$0x3FD2] =	sst s23  }
0xa9: {  	s3 =	sshll.u32 s24, $0x1;
	_ =	strace $0x80000046;
	[dreg:$0x1] =	wrdreg $0xFFFFFFFF  }
0xaa: {  	s25 =	simm.s32 $_size_execute0_lowered;
	s1 =	sadd.s32 s1, s3;
	[dreg:$0x0] =	wrdreg $0x0  }
0xab: {  	s3 =	sshll.u32 s25, $0x1;
	[dreg:$0x2] =	wrdreg s1  }
0xac: {  	[dreg:$0x3] =	wrdreg s3  }
0xad: {  	[dreg:$0x4] =	wrdreg $0xC0  }
0xae: {  	_ =	task [dreg:s5], $0x5FFFF  }
0xaf: {  	[dreg:$0x1] =	wrdreg $0xFFFFFFFF  }
0xb0: {  	[dreg:$0x0] =	wrdreg $0x60  }
0xb1: {  	[dreg:$0x2] =	wrdreg s22  }
0xb2: {  	[dreg:$0x3] =	wrdreg s14  }
0xb3: {  	[dreg:$0x4] =	wrdreg $0x0  }
0xb4: {  	[dreg:$0x5] =	wrdreg $0x9  }
0xb5: {  	_ =	task.clear_ibuf [dreg:s5], $0x6FFFF;
	_ =	strace $0x90000046  }
0xb6: {  	s26 =	simm.s32 $0x9;
	_ =	strace $0x80000048  }
0xb7: {  	_ =	swait.ge [sflag:s26], $0x1  }
0xb8: {  	[sflag:s26] =	ssyncadd.s32 $0xFFFFFFFF  }
0xb9: {  	_ =	strace $0x90000048  }
0xba: {  	_ =	sfence  }
0xbb: {  	s28 =	sld [smem:$0x0];
	_ =	sdelay $0x1  }
0xbc: {  	s29 =	srdreg.scid  }
0xbd: {  	s30 =	sshll.u32 s29, $0xD;
	s31 =	sshrl.u32 s29, $0x2  }
0xbe: {  	s2 =	sand.u32 $0x4000, s30;
	s1 =	sand.u32 $0x1, s29;
	s0 =	sadd.s32 s31, s28  }
0xbf: {  	s1 =	sor.u32 s2, s1;
	s0 =	sshll.u32 s0, $0x11  }
0xc0: {  	s0 =	sor.u32 s0, s1  }
0xc1: {  	s0 =	sadd.s32 $0x8F2B, s0  }
0xc2: {  	[sflag:s0] =	ssyncadd.remote.s32 $0x1  }
0xc3: {  	_ =	sfence.sel $0xFFFF  }
0xc4: {  	[dreg:$0x0] =	wrdreg $0xFFFFFFFF;
	(pc) =	sbr.abs _section_cstart, $3  }
0xc5: {  	[dreg:$0x1] =	wrdreg $0xFFFFFFFF  }
0xc6: {  	_ =	task.clear_ibuf [dreg:s5], $0x2FFFF;
	_ =	strace $0x9FFFFFFF  }
0xc7: {  	(tm) =	ssettm $0x7FFFFFFF  }
tec
execute0_lowered:
.L_overlay_start_1:
0x0: {  	(tag) =	ssettag $0x1  }
0x1: {  	s4 =	stileid.u32  }
0x2: {  	p0 =	sne.s32 s4, $0x0  }
.Ltmp0:
0x3: {  	_ = 	snop;
	(pc) =	sbr.rel @p0 .LBB2_4-.Ltmp0, $4  }
0x4: {  	s3 =	rddreg [dreg:$0x0]  }
0x5: {  	s1 =	rddreg [dreg:$0x1]  }
0x6: {  	s2 =	rddreg [dreg:$0x2]  }
0x7: {  	s0 =	rddreg [dreg:$0x3];
	_ =	strace $0x80000047  }
0x8: {  	v0 =	vimm.f32 $0.0e+00;
	vm0 =	vcmask $0x1704  }
0x9: {  	v0 =	vsel vm0, $0x3F800000, v0  }
0xa: {  	(xrf2) =	vadd.scan.msk.f32 $0xffff, v0;
	_ =	sdelay $0x9  }
0xb: {  	s4 =	sshrl.u32 s2, $0x3;
	s5 =	simm.s32 $0x1C01;
	s25 =	simm.s32 $0x1;
	v1, _, _ =	vpop (xrf2)  }
0xc: {  	[spmem:s4], [sflag:s5] =	dma.local [hbm:s3], $0x70  }
0xd: {  	_ =	swait.ge [sflag:s25], $0x70  }
0xe: {  	[sflag:s25] =	ssyncset.done $0x0  }
0xf: {  	s26 =	simm.s32 $0x38;
	[sflag:s25] =	ssyncadd.s32 $0xFFFFFF90  }
0x10: {  	[tilespmem:s26], [sflag:$0x1] =	stream.linear.gather [spmem:s2], $0x380, $0x38;
	[tilespmem:$0x4B8] =	vst v63  }
0x11: {  	_ =	swait.ge [sflag:s25], $0x380  }
0x12: {  	s28 =	simm.s32 $0x0;
	p1 =	por $0x0, $0x0;
	[sflag:s25] =	ssyncset.done $0x0  }
0x13: {  	s29 =	sand.u32 $0x10, s28;
	s4 =	simm.s32 $0xE8;
	[sflag:s25] =	ssyncadd.s32 $0xFFFFFC80  }
0x14: {  	s3 =	simm.s32 $0x68;
	s4 =	simm.s32 @!p1 $0xD8;
	v2 =	vld [tilespmem:s29+$0x38]  }
0x15: {  	v3 =	vimm.f32 $-0.0e+00;
	s3 =	simm.s32 @!p1 $0x58;
	v4 =	vld [tilespmem:s4+$0x0]  }
0x16: {  	s30 =	simm.s32 $0xF8;
	v3 =	vsel vm0, $0xBF800000, v3;
	s5 =	simm.s32 $0x88;
	v5 =	vld [tilespmem:s3+$0x0]  }
0x17: {  	v1 =	vadd.f32 v3, v1;
	s5 =	simm.s32 @!p1 $0x78;
	v3 =	vld [tilespmem:s30+$0x0]  }
0x18: {  	s3 =	simm.s32 $0xA8;
	v6 =	vld [tilespmem:s5+$0x0]  }
0x19: {  	s2 =	sand.u32 $0xF, s28;
	v0 =	vld [tilespmem:$0x2F8];
	s4 =	simm.s32 $0xC8;
	s3 =	simm.s32 @!p1 $0x98  }
0x1a: {  	s7 =	simm.s32 $0x1;
	v1 =	vtrunc.f32 v1;
	v7 =	vmov s2;
	s4 =	simm.s32 @!p1 $0xB8;
	v8 =	vld [tilespmem:s3+$0x0]  }
0x1b: {  	s31 =	sand.u32 $0x10, s7;
	v1 =	vcvt.f32.s32 v1;
	p1 =	por $0x0, $0x0;
	v9 =	vld [tilespmem:s4+$0x0];
	s4 =	simm.s32 $0xE8;
	v2 =	vperm.xlane v2, v7  }
0x1c: {  	s6 =	simm.s32 $0x68;
	v13 =	vld [tilespmem:s31+$0x38];
	s4 =	simm.s32 @!p1 $0xD8;
	v4 =	vperm.xlane v4, v7;
	v5 =	vperm.xlane v5, v7  }
0x1d: {  	s8 =	simm.s32 $0x88;
	s9 =	simm.s32 $0xA8;
	s6 =	simm.s32 @!p1 $0x58;
	v17 =	vld [tilespmem:s4+$0x0];
	v12 =	vperm.xlane v6, v7;
	v2 =	vmul.f32 v2, v3  }
0x1e: {  	s11 =	simm.s32 $0xC8;
	s10 =	sand.u32 $0xF, s7;
	v10 =	vld [tilespmem:s6+$0x0];
	s6 =	simm.s32 $0x108;
	v11 =	vmul.f32 v4, v3;
	v5 =	vmul.f32 v5, v3  }
0x1f: {  	s7 =	simm.s32 $0x2;
	s2 =	simm.s32 $0xA8;
	v1 =	vadd.s32 $0x2D0, v1;
	s9 =	simm.s32 @!p1 $0x98;
	v6 =	vld [tilespmem:s6+$0x0];
	v14 =	vperm.xlane v8, v7;
	v18 =	vmul.f32 v12, v3  }
0x20: {  	s5 =	simm.s32 $0x68;
	s3 =	simm.s32 $0x88;
	s11 =	simm.s32 @!p1 $0xB8;
	v15 =	vperm.xlane v9, v7;
	v8 =	vmov s10;
	v12 =	vld [tilespmem:s9+$0x0];
	v4 =	vadd.f32 v2, v0  }
0x21: {  	s8 =	simm.s32 @!p1 $0x78;
	p1 =	por $0x0, $0x0;
	s4 =	simm.s32 $0xC8;
	v16 =	vperm.xlane v13, v8;
	v13 =	vld [tilespmem:s11+$0x0];
	v2 =	vadd.f32 v11, v0;
	v5 =	vadd.f32 v5, v0  }
0x22: {  	s10 =	sand.u32 $0x10, s7;
	s9 =	simm.s32 $0x3;
	v9 =	vmovc v0;
	v11 =	vld [tilespmem:s8+$0x0];
	s8 =	simm.s32 $0xE8;
	v14 =	vmul.f32 v14, v3;
	v17 =	vperm.xlane v17, v8;
	v7 =	vadd.f32 v18, v0  }
.LBB2_2:
0x23: {  	p2 =	sne.s32 s9, $0x1F  }
0x24: {  	v18 =	vld [tilespmem:s10+$0x38];
	s10 =	simm.s32 $0x68;
	s11 =	simm.s32 $0xE8;
	s12 =	simm.s32 $0x88  }
0x25: {  	v19 =	vperm.xlane v10, v8;
	v0 =	vadd.f32 v14, v0;
	v14 =	vmul.f32 v15, v3;
	s13 =	simm.s32 $0xA8;
	s10 =	simm.s32 @!p1 $0x58;
	s11 =	simm.s32 @!p1 $0xD8  }
0x26: {  	s12 =	simm.s32 @!p1 $0x78;
	s13 =	simm.s32 @!p1 $0x98;
	v15 =	vmul.f32 v16, v6;
	v16 =	vmul.f32 v17, v6;
	v3 =	vmov v6;
	v20 =	vld [tilespmem:s11+$0x0];
	s11 =	simm.s32 $0xC8  }
.Ltmp1:
0x27: {  	s6 =	sadd.s32 $0x10, s6;
	v17 =	vmul.f32 v19, v3;
	v19 =	vperm.xlane v11, v8;
	v9 =	vadd.f32 v14, v9;
	v10 =	vld [tilespmem:s10+$0x0];
	s11 =	simm.s32 @!p1 $0xB8;
	(pc) =	sbr.rel @p2 .LBB2_2-.Ltmp1, $4  }
0x28: {  	v4 =	vadd.f32 v15, v4;
	v14 =	vperm.xlane v12, v8;
	v2 =	vadd.f32 v16, v2;
	v6 =	vld [tilespmem:s6+$0x0]  }
0x29: {  	s10 =	sand.u32 $0xF, s7;
	s7 =	smov.u32 s9;
	v5 =	vadd.f32 v17, v5;
	v19 =	vmul.f32 v19, v3;
	v15 =	vperm.xlane v13, v8;
	v11 =	vld [tilespmem:s12+$0x0]  }
0x2a: {  	v8 =	vmov s10;
	v14 =	vmul.f32 v14, v3;
	v12 =	vld [tilespmem:s13+$0x0]  }
0x2b: {  	s9 =	sadd.s32 $0x1, s9;
	p1 =	sgt.u32 s7, $0xF;
	s10 =	sand.u32 $0x10, s7;
	v16 =	vperm.xlane v18, v8;
	v7 =	vadd.f32 v19, v7;
	v13 =	vld [tilespmem:s11+$0x0];
	v17 =	vperm.xlane v20, v8  }
0x2c: {  	v18 =	vld [tilespmem:s10+$0x38];
	s8 =	simm.s32 @!p1 $0xD8  }
0x2d: {  	s5 =	simm.s32 @!p1 $0x58;
	v19 =	vld [tilespmem:s8+$0x0]  }
0x2e: {  	v10 =	vperm.xlane v10, v8;
	v3 =	vmul.f32 v15, v3;
	s19 =	sadd.s32 $0x10, s6;
	v27 =	vld [tilespmem:s5+$0x0]  }
0x2f: {  	s3 =	simm.s32 @!p1 $0x78;
	v16 =	vmul.f32 v16, v6;
	v17 =	vmul.f32 v17, v6;
	v20 =	vld [tilespmem:s19+$0x0]  }
0x30: {  	s2 =	simm.s32 @!p1 $0x98;
	v21 =	vld [tilespmem:s3+$0x0];
	v11 =	vperm.xlane v11, v8;
	v12 =	vperm.xlane v12, v8  }
0x31: {  	v0 =	vadd.f32 v14, v0;
	s4 =	simm.s32 @!p1 $0xB8;
	s20 =	sand.u32 $0xF, s7;
	v29 =	vld [tilespmem:s2+$0x0];
	v10 =	vmul.f32 v10, v6;
	v28 =	vperm.xlane v13, v8  }
0x32: {  	v30 =	vmov s20;
	v22 =	vld [tilespmem:s4+$0x0];
	v11 =	vmul.f32 v11, v6;
	v12 =	vmul.f32 v12, v6  }
0x33: {  	v3 =	vadd.f32 v3, v9;
	v32 =	vperm.xlane v18, v30;
	v31 =	vmul.f32 v28, v6  }
0x34: {  	v4 =	vadd.f32 v16, v4;
	v33 =	vperm.xlane v19, v30;
	v15 =	vperm.xlane v27, v30  }
0x35: {  	v5 =	vadd.f32 v10, v5;
	v34 =	vperm.xlane v21, v30;
	v8 =	vmul.f32 v32, v20  }
0x36: {  	v7 =	vadd.f32 v11, v7;
	v13 =	vperm.xlane v29, v30;
	v35 =	vmul.f32 v15, v20  }
0x37: {  	v37 =	vperm.xlane v22, v30;
	v36 =	vmul.f32 v34, v20;
	v4 =	vadd.f32 v8, v4  }
0x38: {  	v0 =	vadd.f32 v12, v0;
	v38 =	vmul.f32 v13, v20;
	v5 =	vadd.f32 v35, v5  }
0x39: {  	v3 =	vadd.f32 v31, v3;
	v40 =	vmul.f32 v37, v20;
	v39 =	vadd.f32 v36, v7;
	[tilespmem:$0x3B8] =	vst v4  }
0x3a: {  	v2 =	vadd.f32 v17, v2;
	v41 =	vmul.f32 v33, v20;
	v0 =	vadd.f32 v38, v0;
	[tilespmem:$0x3C8] =	vst v5  }
0x3b: {  	v3 =	vadd.f32 v40, v3;
	[tilespmem:$0x3D8] =	vst v39  }
0x3c: {  	v2 =	vadd.f32 v41, v2;
	[tilespmem:$0x3E8] =	vst v0  }
0x3d: {  	[tilespmem:$0x3F8] =	vst v3  }
0x3e: {  	s21 =	simm.s32 $0x38;
	[tilespmem:$0x408] =	vst v2  }
0x3f: {  	v0 =	vld.idx.msk [tilespmem:v1+s21+$0x0], $0xffff;
	_ =	sdelay $0x4  }
0x40: {  	v0 =	vadd.f32 v0, v4  }
0x41: {  	vm1 =	vcmask $0x318  }
0x42: {  	v0 =	vsel vm1, $0xF149F2CA, v0  }
0x43: {  	(xrf0) =	vmax.scan.msk.f32 $0xffff, v0;
	_ =	sdelay $0x5  }
0x44: {  	v42, _, _ =	vpop (xrf0)  }
0x45: {  	v1 =	vbroadcast v42, $0xF  }
0x46: {  	v43 =	vlaneseq.u32  }
0x47: {  	v44 =	vor.u32 $0x80000000, v43;
	vm2 =	veq.f32 v0, v1  }
0x48: {  	v1 =	vnsel vm2, $0x80000020, v44  }
0x49: {  	(xrf0) =	vmin.scan.msk.u32 $0xffff, v1;
	_ =	sdelay $0x5  }
0x4a: {  	v1, _, _ =	vpop (xrf0)  }
0x4b: {  	(v2sf) =	vpush v1, $0xF;
	_ =	sdelay $0xe  }
0x4c: {  	s22 =	spop (v2sf)  }
0x4d: {  	s3 =	sxor.u32 $0x80000000, s22  }
0x4e: {  	v46 =	vimm.s32 $0x0;
	v45 =	vmov s3  }
0x4f: {  	v3 =	vsel vm0, $0x1, v46;
	vm6 =	veq.s32 v45, v43  }
0x50: {  	v3 =	vsel vm6, $0x0, v3  }
0x51: {  	v47 =	vcvt.s32.f32 v3;
	_ =	sdelay $0x1  }
0x52: {  	(xrf2) =	vadd.scan.msk.f32 $0xffff, v47;
	_ =	sdelay $0x9  }
0x53: {  	v48, _, _ =	vpop (xrf2)  }
0x54: {  	v4 =	vsub.f32 v48, v47;
	_ =	sdelay $0x1  }
0x55: {  	v4 =	vtrunc.f32 v4  }
0x56: {  	v49 =	vshll.u32 v45, $0x4;
	v4 =	vcvt.f32.s32 v4  }
0x57: {  	v5 =	vor.u32 v43, v49  }
0x58: {  	v4 =	vadd.s32 $0x2E0, v4;
	_ =	sdelay $0x2  }
0x59: {  	s23 =	simm.s32 $0x3B8  }
0x5a: {  	v5 =	vld.idx.msk [tilespmem:v5+s23+$0x0], $0xffff  }
0x5b: {  	v4 =	vld.idx.msk [tilespmem:v4+s21+$0x0], $0xffff;
	_ =	sdelay $0x4  }
0x5c: {  	v4 =	vadd.f32 v4, v5  }
0x5d: {  	vm7 =	vmor vm6, vm1  }
0x5e: {  	v4 =	vsel vm7, $0xF149F2CA, v4  }
0x5f: {  	(xrf0) =	vmax.scan.msk.f32 $0xffff, v4;
	_ =	sdelay $0x5  }
0x60: {  	v50, _, _ =	vpop (xrf0)  }
0x61: {  	v5 =	vbroadcast v50, $0xF;
	_ =	sdelay $0x1  }
0x62: {  	vm0 =	veq.f32 v4, v5  }
0x63: {  	v4 =	vnsel vm0, $0x80000020, v44  }
0x64: {  	(xrf0) =	vmin.scan.msk.u32 $0xffff, v4;
	_ =	sdelay $0x5  }
0x65: {  	v4, _, _ =	vpop (xrf0)  }
0x66: {  	(v2sf) =	vpush v4, $0xF;
	_ =	sdelay $0xe  }
0x67: {  	s24 =	spop (v2sf)  }
0x68: {  	s3 =	sxor.u32 $0x80000000, s24  }
0x69: {  	v51 =	vmov s3  }
0x6a: {  	vm8 =	veq.s32 v51, v43  }
0x6b: {  	v3 =	vsel vm8, $0x0, v3  }
0x6c: {  	v52 =	vcvt.s32.f32 v3;
	_ =	sdelay $0x1  }
0x6d: {  	(xrf2) =	vadd.scan.msk.f32 $0xffff, v52;
	_ =	sdelay $0x9  }
0x6e: {  	v53, _, _ =	vpop (xrf2)  }
0x6f: {  	v5 =	vsub.f32 v53, v52;
	_ =	sdelay $0x1  }
0x70: {  	v5 =	vtrunc.f32 v5  }
0x71: {  	v4 =	vshll.u32 v51, $0x4;
	v5 =	vcvt.f32.s32 v5  }
0x72: {  	v4 =	vor.u32 v43, v4  }
0x73: {  	v5 =	vadd.s32 $0x2F0, v5;
	_ =	sdelay $0x3  }
0x74: {  	v4 =	vld.idx.msk [tilespmem:v4+s23+$0x0], $0xffff  }
0x75: {  	v5 =	vld.idx.msk [tilespmem:v5+s21+$0x0], $0xffff;
	_ =	sdelay $0x4  }
0x76: {  	v4 =	vadd.f32 v5, v4  }
0x77: {  	vm0 =	veq.s32 v3, $0x0  }
0x78: {  	v4 =	vsel vm0, $0xF149F2CA, v4  }
0x79: {  	(xrf0) =	vmax.scan.msk.f32 $0xffff, v4;
	_ =	sdelay $0x5  }
0x7a: {  	v54, _, _ =	vpop (xrf0)  }
0x7b: {  	v5 =	vbroadcast v54, $0xF;
	_ =	sdelay $0x1  }
0x7c: {  	vm0 =	veq.f32 v4, v5  }
0x7d: {  	v4 =	vnsel vm0, $0x80000020, v44  }
0x7e: {  	(xrf0) =	vmin.scan.msk.u32 $0xffff, v4;
	_ =	sdelay $0x5  }
0x7f: {  	v4, _, _ =	vpop (xrf0)  }
0x80: {  	(v2sf) =	vpush v4, $0xF;
	_ =	sdelay $0xe  }
0x81: {  	s25 =	spop (v2sf)  }
0x82: {  	s5 =	sxor.u32 $0x80000000, s25  }
0x83: {  	v55 =	vmov s5  }
0x84: {  	vm9 =	veq.s32 v55, v43  }
0x85: {  	v3 =	vsel vm9, $0x0, v3  }
0x86: {  	v56 =	vcvt.s32.f32 v3;
	_ =	sdelay $0x1  }
0x87: {  	(xrf2) =	vadd.scan.msk.f32 $0xffff, v56;
	_ =	sdelay $0x9  }
0x88: {  	v57, _, _ =	vpop (xrf2)  }
0x89: {  	v5 =	vsub.f32 v57, v56;
	_ =	sdelay $0x1  }
0x8a: {  	v5 =	vtrunc.f32 v5  }
0x8b: {  	v4 =	vshll.u32 v55, $0x4;
	v5 =	vcvt.f32.s32 v5  }
0x8c: {  	v4 =	vor.u32 v43, v4  }
0x8d: {  	v5 =	vadd.s32 $0x300, v5;
	_ =	sdelay $0x3  }
0x8e: {  	v4 =	vld.idx.msk [tilespmem:v4+s23+$0x0], $0xffff  }
0x8f: {  	v5 =	vld.idx.msk [tilespmem:v5+s21+$0x0], $0xffff;
	_ =	sdelay $0x4  }
0x90: {  	v4 =	vadd.f32 v5, v4  }
0x91: {  	vm0 =	veq.s32 v3, $0x0  }
0x92: {  	v4 =	vsel vm0, $0xF149F2CA, v4  }
0x93: {  	(xrf0) =	vmax.scan.msk.f32 $0xffff, v4;
	_ =	sdelay $0x5  }
0x94: {  	v58, _, _ =	vpop (xrf0)  }
0x95: {  	v5 =	vbroadcast v58, $0xF;
	_ =	sdelay $0x1  }
0x96: {  	vm0 =	veq.f32 v4, v5  }
0x97: {  	v4 =	vnsel vm0, $0x80000020, v44  }
0x98: {  	(xrf0) =	vmin.scan.msk.u32 $0xffff, v4;
	_ =	sdelay $0x5  }
0x99: {  	v4, _, _ =	vpop (xrf0)  }
0x9a: {  	(v2sf) =	vpush v4, $0xF;
	_ =	sdelay $0xe  }
0x9b: {  	s26 =	spop (v2sf)  }
0x9c: {  	s6 =	sxor.u32 $0x80000000, s26  }
0x9d: {  	v59 =	vmov s6  }
0x9e: {  	vm10 =	veq.s32 v59, v43  }
0x9f: {  	v3 =	vsel vm10, $0x0, v3  }
0xa0: {  	v60 =	vcvt.s32.f32 v3;
	_ =	sdelay $0x1  }
0xa1: {  	(xrf2) =	vadd.scan.msk.f32 $0xffff, v60;
	_ =	sdelay $0x9  }
0xa2: {  	v61, _, _ =	vpop (xrf2)  }
0xa3: {  	v5 =	vsub.f32 v61, v60;
	_ =	sdelay $0x1  }
0xa4: {  	v5 =	vtrunc.f32 v5  }
0xa5: {  	v4 =	vshll.u32 v59, $0x4;
	v5 =	vcvt.f32.s32 v5  }
0xa6: {  	v4 =	vor.u32 v43, v4  }
0xa7: {  	v5 =	vadd.s32 $0x310, v5;
	_ =	sdelay $0x3  }
0xa8: {  	v4 =	vld.idx.msk [tilespmem:v4+s23+$0x0], $0xffff  }
0xa9: {  	v5 =	vld.idx.msk [tilespmem:v5+s21+$0x0], $0xffff;
	_ =	sdelay $0x4  }
0xaa: {  	v4 =	vadd.f32 v5, v4  }
0xab: {  	vm0 =	veq.s32 v3, $0x0  }
0xac: {  	v3 =	vsel vm0, $0xF149F2CA, v4  }
0xad: {  	(xrf0) =	vmax.scan.msk.f32 $0xffff, v3;
	_ =	sdelay $0x5  }
0xae: {  	v62, _, _ =	vpop (xrf0)  }
0xaf: {  	v4 =	vbroadcast v62, $0xF;
	_ =	sdelay $0x1  }
0xb0: {  	vm0 =	veq.f32 v3, v4  }
0xb1: {  	v0 =	vnsel vm0, $0x80000020, v44  }
0xb2: {  	(xrf0) =	vmin.scan.msk.u32 $0xffff, v0;
	_ =	sdelay $0x5  }
0xb3: {  	v0, _, _ =	vpop (xrf0)  }
0xb4: {  	(v2sf) =	vpush v0, $0xF;
	_ =	sdelay $0xb  }
0xb5: {  	vm11 =	vcmask $0x704  }
0xb6: {  	vm12 =	vcmask $0x718;
	v63 =	vnsel vm11, $0x0, v45  }
0xb7: {  	vm13 =	vcmask $0xB18;
	v0 =	vnsel vm12, s3, v63  }
0xb8: {  	vm14 =	vcmask $0xF18;
	v0 =	vnsel vm13, s5, v0;
	s28 =	spop (v2sf)  }
0xb9: {  	vm15 =	veq.s32 v43, $0x5;
	v0 =	vnsel vm14, s6, v0;
	s2 =	sxor.u32 $0x80000000, s28  }
0xba: {  	v0 =	vsel vm15, s2, v0  }
0xbb: {  	s29 =	simm.s32 $0x0;
	s30 =	simm.s32 $0x438;
	s31 =	simm.s32 $0x1;
	[tilespmem:$0x438] =	vst v0  }
0xbc: {  	[hbm4b:s1+s29] =	stream.linear.scatter [tilespmem:s30], [sflag:$0x1], $0x80, $0x38;
	[tilespmem:$0x4B8] =	vst v63  }
0xbd: {  	_ =	swait.ge [sflag:s31], $0x80  }
0xbe: {  	[sflag:s31] =	ssyncset.done $0x0  }
0xbf: {  	[sflag:s31] =	ssyncadd.s32 $0xFFFFFF80  }
.LBB2_4:
0xc0: {  	_ =	sfence.sel $0x180000  }
0xc1: {  	[bflag:$0x0] =	sbarrier.arrive $0xFFFF  }
0xc2: {  	_ =	strace $0x90000047  }
0xc3: {  	s0 =	sadd.s32 @!p0 $0x100000, s0;
	[bflag:$0x2] =	sbarrier.arrive $0xFFFF  }
0xc4: {  	[sflag:s0] =	ssyncadd.tile.s32 @!p0 $0x1;
	_ =	shalt  }
.Lfunc_end2:
_tile_overlayer_lowered:
.L_overlay_start_2:
0xc5: {  	(tag) =	ssettag $0x2  }
0xc6: {  	s0 =	rddreg [dreg:$0x0];
	s2 =	stileid.u32  }
0xc7: {  	s1 =	rddreg [dreg:$0x1];
	p0 =	sne.s32 s2, $0x0  }
0xc8: {  	s3 =	rddreg [dreg:$0x2];
	[bflag:$0x3] =	sbarrier.arrive $0xFFFF;
	s2 =	simm.s32 @!p0 $0x1C01  }
0xc9: {  	[timem:s3], [sflag:s2] =	dma.local @!p0 [hbm:s0], s1  }
0xca: {  	s0 =	simm.s32 @!p0 $0x1  }
0xcb: {  	_ =	swait.ge @!p0 [sflag:s0], s1  }
0xcc: {  	s1 =	ssub.s32 @!p0 $0x0, s1;
	[sflag:s0] =	ssyncset.done @!p0 $0x0  }
0xcd: {  	[sflag:s0] =	ssyncadd.s32 @!p0 s1  }
0xce: {  	[bflag:$0x3] =	sbarrier.arrive $0xFFFF  }
0xcf: {  	_ =	shalt  }

</sc_bundles>
